<compile_context>
chip_gen: v7x
topology: tpu7x:2x2x1
jax: 0.10.2.dev20260603
libtpu: 0.0.44.dev20260713+nightly
codegen_flags: <defaults>
</compile_context>

<pallas_src>
import functools

import jax
import jax.numpy as jnp
from jax.experimental import pallas as pl
from jax.experimental.pallas import tpu as pltpu

AA_DIM = 128
MAX_ATOM_INDX = 14.0
RES_VOCAB = 26
RES_DIM = 128
ATOM_VOCAB = 128
ATOM_DIM = 64
OUT_DIM = 1 + AA_DIM + RES_DIM + ATOM_DIM

ROWS = 1024

_PI2_HI = 1.5707963705062866
_PI2_LO = -4.371139000186241e-08
_INV_PI2 = 0.6366197723675814


def _sincos(x):
    k = jnp.round(x * _INV_PI2)
    r = (x - k * _PI2_HI) - k * _PI2_LO
    r2 = r * r
    sp = r + r * r2 * (-1.6666654611e-1 + r2 * (8.3321608736e-3 + r2 * (-1.9515295891e-4)))
    cp = 1.0 + r2 * (-0.5 + r2 * (4.166664568298827e-2 + r2 * (-1.388731625493765e-3)))
    q = k.astype(jnp.int32)
    odd = (q & 1) == 1
    sin_mag = jnp.where(odd, cp, sp)
    cos_mag = jnp.where(odd, sp, cp)
    qm = q & 3
    sin_neg = qm >= 2
    cos_neg = (qm == 1) | (qm == 2)
    s = jnp.where(sin_neg, -sin_mag, sin_mag)
    c = jnp.where(cos_neg, -cos_mag, cos_mag)
    return s, c


def _body(pep_ref, atom_ref, res_ref, an_ref, wres_ref, watom_ref, out_ref):
    pep = pep_ref[0]
    atom_idx = atom_ref[0]
    res_ids = res_ref[0]
    atom_ids = an_ref[0]

    half = AA_DIM // 2
    scale = jnp.log(MAX_ATOM_INDX) / (half - 1)
    freqs = jnp.exp(
        jax.lax.broadcasted_iota(jnp.int32, (1, half), 1).astype(jnp.float32)
        * (-scale)
    )
    pe = atom_idx * freqs

    res_onehot = (
        res_ids == jax.lax.broadcasted_iota(jnp.int32, (1, RES_VOCAB), 1)
    ).astype(jnp.float32)
    res_emb = jax.lax.dot(
        res_onehot, wres_ref[...], preferred_element_type=jnp.float32
    )
    atom_onehot = (
        atom_ids == jax.lax.broadcasted_iota(jnp.int32, (1, ATOM_VOCAB), 1)
    ).astype(jnp.float32)
    atom_emb = jax.lax.dot(
        atom_onehot, watom_ref[...], preferred_element_type=jnp.float32
    )

    s, c = _sincos(pe)
    out_ref[:, 0:1] = pep
    out_ref[:, 1 : 1 + half] = s
    out_ref[:, 1 + half : 1 + AA_DIM] = c
    out_ref[:, 1 + AA_DIM : 1 + AA_DIM + RES_DIM] = res_emb
    out_ref[:, 1 + AA_DIM + RES_DIM :] = atom_emb


@jax.jit
def kernel(peptide_indices, atom_indices, residue_names, atom_names, W_res, W_atom):
    B, L = peptide_indices.shape
    n = B * L
    nb = n // ROWS

    def col(x):
        return x.reshape(nb, ROWS, 1)

    row_spec = pl.BlockSpec((1, ROWS, 1), lambda i: (i, 0, 0))
    out2d = pl.pallas_call(
        _body,
        grid=(nb,),
        in_specs=[
            row_spec,
            row_spec,
            row_spec,
            row_spec,
            pl.BlockSpec((RES_VOCAB, RES_DIM), lambda i: (0, 0)),
            pl.BlockSpec((ATOM_VOCAB, ATOM_DIM), lambda i: (0, 0)),
        ],
        out_specs=pl.BlockSpec((ROWS, OUT_DIM), lambda i: (i, 0)),
        out_shape=jax.ShapeDtypeStruct((n, OUT_DIM), jnp.float32),
        compiler_params=pltpu.CompilerParams(
            dimension_semantics=("parallel",),
        ),
    )(
        col(peptide_indices),
        col(atom_indices),
        col(residue_names),
        col(atom_names),
        W_res,
        W_atom,
    )
    return out2d.reshape(B, L, OUT_DIM)

# --- scband reference (transcript-rebuilt; emitter-appended) ---
"""Pipeline reference for scband-conditioner-module-28965259444887 (READ-ONLY COPY).

The authoritative reference and input builder live on the scoring server;
editing this copy changes nothing except your own understanding.
"""

import jax, jax.numpy as jnp
import numpy as np

AA_DIM = 128
MAX_ATOM_INDX = 14.0
RES_VOCAB = 26
RES_DIM = 128
ATOM_VOCAB = 128
ATOM_DIM = 64
B, L = 4096, 200


def _atom_indices_embedding(atom_indices):
    half_dim = AA_DIM // 2
    pemb = jnp.log(MAX_ATOM_INDX) / (half_dim - 1)
    pemb = jnp.exp(jnp.arange(half_dim, dtype=jnp.float32) * -pemb)
    pemb = jnp.expand_dims(atom_indices, -1) * jnp.expand_dims(jnp.expand_dims(pemb, 0), 0)
    return jnp.concatenate([jnp.sin(pemb), jnp.cos(pemb)], axis=-1)


def setup_inputs(seed: int = 0) -> dict:
    key = jax.random.key(seed)
    k1, k2, k3, k4, k5, k6 = jax.random.split(key, 6)
    peptide_indices = jax.random.uniform(k1, (B, L), dtype=jnp.float32)
    atom_indices = jax.random.uniform(k2, (B, L), dtype=jnp.float32) * MAX_ATOM_INDX
    residue_names = jax.random.randint(k3, (B, L), 0, RES_VOCAB, dtype=jnp.int32)
    atom_names = jax.random.randint(k4, (B, L), 0, ATOM_VOCAB, dtype=jnp.int32)
    W_res = jax.random.normal(k5, (RES_VOCAB, RES_DIM), dtype=jnp.float32) * 0.02
    W_atom = jax.random.normal(k6, (ATOM_VOCAB, ATOM_DIM), dtype=jnp.float32) * 0.02
    return {
        "peptide_indices": peptide_indices,
        "atom_indices": atom_indices,
        "residue_names": residue_names,
        "atom_names": atom_names,
        "W_res": W_res,
        "W_atom": W_atom,
    }


def reference(peptide_indices, atom_indices, residue_names, atom_names, W_res, W_atom):
    res_emb = jnp.take(W_res, residue_names, axis=0)
    atom_emb = jnp.take(W_atom, atom_names, axis=0)
    return jnp.concatenate(
        [
            jnp.expand_dims(peptide_indices, -1),
            _atom_indices_embedding(atom_indices),
            res_emb,
            atom_emb,
        ],
        axis=-1,
    )

if __name__ == "__main__":
    import jax
    _d = setup_inputs()
    print(jax.jit(kernel)(*tuple(_d.values())))

</pallas_src>

<mosaic_0001>
module attributes {stable_mosaic.version = 14 : i64} {
  func.func @_body(%arg0: i32, %arg1: memref<1x1024x1xf32, #tpu.memory_space<vmem>>, %arg2: memref<1x1024x1xf32, #tpu.memory_space<vmem>>, %arg3: memref<1x1024x1xi32, #tpu.memory_space<vmem>>, %arg4: memref<1x1024x1xi32, #tpu.memory_space<vmem>>, %arg5: memref<26x128xf32, #tpu.memory_space<vmem>>, %arg6: memref<128x64xf32, #tpu.memory_space<vmem>>, %arg7: memref<1024x321xf32, #tpu.memory_space<vmem>>) attributes {dimension_semantics = [#tpu.dimension_semantics<parallel>], iteration_bounds = array<i64: 800>, scalar_prefetch = 0 : i64, scratch_operands = 0 : i64, tpu.core_type = #tpu.core_type<tc>, window_params = [{transform_indices = @transform_0, window_bounds = array<i64: 1, 1024, 1>}, {transform_indices = @transform_1, window_bounds = array<i64: 1, 1024, 1>}, {transform_indices = @transform_2, window_bounds = array<i64: 1, 1024, 1>}, {transform_indices = @transform_3, window_bounds = array<i64: 1, 1024, 1>}, {pipeline_mode = #tpu.pipeline_mode<synchronous>, transform_indices = @transform_4, window_bounds = array<i64: 26, 128>}, {pipeline_mode = #tpu.pipeline_mode<synchronous>, transform_indices = @transform_5, window_bounds = array<i64: 128, 64>}, {transform_indices = @transform_6, window_bounds = array<i64: 1024, 321>}]} {
    %get3A = arith.constant 0 : index
    %get3A_0 = arith.constant 0 : index
    %get3A_1 = arith.constant 0 : index
    %get3A_2 = vector.load %arg1[%get3A, %get3A_0, %get3A_1] : memref<1x1024x1xf32, #tpu.memory_space<vmem>>, vector<1x1024x1xf32>
    %get3A_3 = vector.shape_cast %get3A_2 : vector<1x1024x1xf32> to vector<1024x1xf32>
    %get3A_4 = arith.constant 0 : index
    %get3A_5 = arith.constant 0 : index
    %get3A_6 = arith.constant 0 : index
    %get3A_7 = vector.load %arg2[%get3A_4, %get3A_5, %get3A_6] : memref<1x1024x1xf32, #tpu.memory_space<vmem>>, vector<1x1024x1xf32>
    %get3A_8 = vector.shape_cast %get3A_7 : vector<1x1024x1xf32> to vector<1024x1xf32>
    %get3A_9 = arith.constant 0 : index
    %get3A_10 = arith.constant 0 : index
    %get3A_11 = arith.constant 0 : index
    %get3A_12 = vector.load %arg3[%get3A_9, %get3A_10, %get3A_11] : memref<1x1024x1xi32, #tpu.memory_space<vmem>>, vector<1x1024x1xi32>
    %get3A_13 = vector.shape_cast %get3A_12 : vector<1x1024x1xi32> to vector<1024x1xi32>
    %get3A_14 = arith.constant 0 : index
    %get3A_15 = arith.constant 0 : index
    %get3A_16 = arith.constant 0 : index
    %get3A_17 = vector.load %arg4[%get3A_14, %get3A_15, %get3A_16] : memref<1x1024x1xi32, #tpu.memory_space<vmem>>, vector<1x1024x1xi32>
    %get3A_18 = vector.shape_cast %get3A_17 : vector<1x1024x1xi32> to vector<1024x1xi32>
    %log3A = arith.constant 1.400000e+01 : f32
    %log3A_19 = math.log %log3A : f32
    %div3A = arith.constant 6.300000e+01 : f32
    %div3A_20 = arith.divf %log3A_19, %div3A : f32
    %iota3A = tpu.iota {dimensions = array<i32: 1>} : vector<1x64xi32>
    %convert_element_type3A = arith.sitofp %iota3A : vector<1x64xi32> to vector<1x64xf32>
    %neg3A = arith.constant 0.000000e+00 : f32
    %neg3A_21 = arith.subf %neg3A, %div3A_20 : f32
    %mul3A = vector.broadcast %neg3A_21 : f32 to vector<1x64xf32>
    %mul3A_22 = arith.mulf %convert_element_type3A, %mul3A : vector<1x64xf32>
    %exp3A = math.exp %mul3A_22 : vector<1x64xf32>
    %mul3A_23 = vector.broadcast %get3A_8 : vector<1024x1xf32> to vector<1024x64xf32>
    %mul3A_24 = vector.broadcast %exp3A : vector<1x64xf32> to vector<1024x64xf32>
    %mul3A_25 = arith.mulf %mul3A_23, %mul3A_24 : vector<1024x64xf32>
    %iota3A_26 = tpu.iota {dimensions = array<i32: 1>} : vector<1x26xi32>
    %eq3A = vector.broadcast %get3A_13 : vector<1024x1xi32> to vector<1024x26xi32>
    %eq3A_27 = vector.broadcast %iota3A_26 : vector<1x26xi32> to vector<1024x26xi32>
    %eq3A_28 = arith.cmpi eq, %eq3A, %eq3A_27 : vector<1024x26xi32>
    %convert_element_type3A_29 = arith.extui %eq3A_28 : vector<1024x26xi1> to vector<1024x26xi32>
    %convert_element_type3A_30 = arith.sitofp %convert_element_type3A_29 : vector<1024x26xi32> to vector<1024x26xf32>
    %get3A_31 = arith.constant 0 : index
    %get3A_32 = arith.constant 0 : index
    %get3A_33 = vector.load %arg5[%get3A_31, %get3A_32] : memref<26x128xf32, #tpu.memory_space<vmem>>, vector<26x128xf32>
    %dot_general3A = arith.constant dense<0.000000e+00> : vector<1024x128xf32>
    %dot_general3A_34 = tpu.matmul %convert_element_type3A_30, %get3A_33, %dot_general3A {dimension_numbers = #tpu.dot_dimension_numbers<[1], [0], [0], [1], [0, 0, 1, 1], [], []>, transpose_lhs_hint = false} : vector<1024x26xf32>, vector<26x128xf32>, vector<1024x128xf32> -> vector<1024x128xf32>
    %iota3A_35 = tpu.iota {dimensions = array<i32: 1>} : vector<1x128xi32>
    %eq3A_36 = vector.broadcast %get3A_18 : vector<1024x1xi32> to vector<1024x128xi32>
    %eq3A_37 = vector.broadcast %iota3A_35 : vector<1x128xi32> to vector<1024x128xi32>
    %eq3A_38 = arith.cmpi eq, %eq3A_36, %eq3A_37 : vector<1024x128xi32>
    %convert_element_type3A_39 = arith.extui %eq3A_38 : vector<1024x128xi1> to vector<1024x128xi32>
    %convert_element_type3A_40 = arith.sitofp %convert_element_type3A_39 : vector<1024x128xi32> to vector<1024x128xf32>
    %get3A_41 = arith.constant 0 : index
    %get3A_42 = arith.constant 0 : index
    %get3A_43 = vector.load %arg6[%get3A_41, %get3A_42] : memref<128x64xf32, #tpu.memory_space<vmem>>, vector<128x64xf32>
    %dot_general3A_44 = arith.constant dense<0.000000e+00> : vector<1024x64xf32>
    %dot_general3A_45 = tpu.matmul %convert_element_type3A_40, %get3A_43, %dot_general3A_44 {dimension_numbers = #tpu.dot_dimension_numbers<[1], [0], [0], [1], [0, 0, 1, 1], [], []>, transpose_lhs_hint = false} : vector<1024x128xf32>, vector<128x64xf32>, vector<1024x64xf32> -> vector<1024x64xf32>
    %mul3A_46 = arith.constant 0.636619746 : f32
    %mul3A_47 = vector.broadcast %mul3A_46 : f32 to vector<1024x64xf32>
    %mul3A_48 = arith.mulf %mul3A_25, %mul3A_47 : vector<1024x64xf32>
    %round3A = math.roundeven %mul3A_48 : vector<1024x64xf32>
    %mul3A_49 = arith.constant 1.57079637 : f32
    %mul3A_50 = vector.broadcast %mul3A_49 : f32 to vector<1024x64xf32>
    %mul3A_51 = arith.mulf %round3A, %mul3A_50 : vector<1024x64xf32>
    %sub3A = arith.subf %mul3A_25, %mul3A_51 : vector<1024x64xf32>
    %mul3A_52 = arith.constant -4.37113883E-8 : f32
    %mul3A_53 = vector.broadcast %mul3A_52 : f32 to vector<1024x64xf32>
    %mul3A_54 = arith.mulf %round3A, %mul3A_53 : vector<1024x64xf32>
    %sub3A_55 = arith.subf %sub3A, %mul3A_54 : vector<1024x64xf32>
    %mul3A_56 = arith.mulf %sub3A_55, %sub3A_55 : vector<1024x64xf32>
    %mul3A_57 = arith.mulf %sub3A_55, %mul3A_56 : vector<1024x64xf32>
    %mul3A_58 = arith.constant -1.95152956E-4 : f32
    %mul3A_59 = vector.broadcast %mul3A_58 : f32 to vector<1024x64xf32>
    %mul3A_60 = arith.mulf %mul3A_56, %mul3A_59 : vector<1024x64xf32>
    %add3A = arith.constant 0.00833216123 : f32
    %add3A_61 = vector.broadcast %add3A : f32 to vector<1024x64xf32>
    %add3A_62 = arith.addf %add3A_61, %mul3A_60 : vector<1024x64xf32>
    %mul3A_63 = arith.mulf %mul3A_56, %add3A_62 : vector<1024x64xf32>
    %add3A_64 = arith.constant -0.166666552 : f32
    %add3A_65 = vector.broadcast %add3A_64 : f32 to vector<1024x64xf32>
    %add3A_66 = arith.addf %add3A_65, %mul3A_63 : vector<1024x64xf32>
    %mul3A_67 = arith.mulf %mul3A_57, %add3A_66 : vector<1024x64xf32>
    %add3A_68 = arith.addf %sub3A_55, %mul3A_67 : vector<1024x64xf32>
    %mul3A_69 = arith.constant -0.00138873165 : f32
    %mul3A_70 = vector.broadcast %mul3A_69 : f32 to vector<1024x64xf32>
    %mul3A_71 = arith.mulf %mul3A_56, %mul3A_70 : vector<1024x64xf32>
    %add3A_72 = arith.constant 0.0416666456 : f32
    %add3A_73 = vector.broadcast %add3A_72 : f32 to vector<1024x64xf32>
    %add3A_74 = arith.addf %add3A_73, %mul3A_71 : vector<1024x64xf32>
    %mul3A_75 = arith.mulf %mul3A_56, %add3A_74 : vector<1024x64xf32>
    %add3A_76 = arith.constant -5.000000e-01 : f32
    %add3A_77 = vector.broadcast %add3A_76 : f32 to vector<1024x64xf32>
    %add3A_78 = arith.addf %add3A_77, %mul3A_75 : vector<1024x64xf32>
    %mul3A_79 = arith.mulf %mul3A_56, %add3A_78 : vector<1024x64xf32>
    %add3A_80 = arith.constant 1.000000e+00 : f32
    %add3A_81 = vector.broadcast %add3A_80 : f32 to vector<1024x64xf32>
    %add3A_82 = arith.addf %add3A_81, %mul3A_79 : vector<1024x64xf32>
    %convert_element_type3A_83 = arith.fptosi %round3A : vector<1024x64xf32> to vector<1024x64xi32>
    %and3A = arith.constant 1 : i32
    %and3A_84 = vector.broadcast %and3A : i32 to vector<1024x64xi32>
    %and3A_85 = arith.andi %convert_element_type3A_83, %and3A_84 : vector<1024x64xi32>
    %eq3A_86 = arith.constant 1 : i32
    %eq3A_87 = vector.broadcast %eq3A_86 : i32 to vector<1024x64xi32>
    %eq3A_88 = arith.cmpi eq, %and3A_85, %eq3A_87 : vector<1024x64xi32>
    %select_n3A = arith.select %eq3A_88, %add3A_82, %add3A_68 : vector<1024x64xi1>, vector<1024x64xf32>
    %select_n3A_89 = arith.select %eq3A_88, %add3A_68, %add3A_82 : vector<1024x64xi1>, vector<1024x64xf32>
    %and3A_90 = arith.constant 3 : i32
    %and3A_91 = vector.broadcast %and3A_90 : i32 to vector<1024x64xi32>
    %and3A_92 = arith.andi %convert_element_type3A_83, %and3A_91 : vector<1024x64xi32>
    %ge3A = arith.constant 2 : i32
    %ge3A_93 = vector.broadcast %ge3A : i32 to vector<1024x64xi32>
    %ge3A_94 = arith.cmpi sge, %and3A_92, %ge3A_93 : vector<1024x64xi32>
    %eq3A_95 = arith.constant 1 : i32
    %eq3A_96 = vector.broadcast %eq3A_95 : i32 to vector<1024x64xi32>
    %eq3A_97 = arith.cmpi eq, %and3A_92, %eq3A_96 : vector<1024x64xi32>
    %eq3A_98 = arith.constant 2 : i32
    %eq3A_99 = vector.broadcast %eq3A_98 : i32 to vector<1024x64xi32>
    %eq3A_100 = arith.cmpi eq, %and3A_92, %eq3A_99 : vector<1024x64xi32>
    %or3A = arith.ori %eq3A_97, %eq3A_100 : vector<1024x64xi1>
    %neg3A_101 = arith.constant 0.000000e+00 : f32
    %neg3A_102 = vector.broadcast %neg3A_101 : f32 to vector<1024x64xf32>
    %neg3A_103 = arith.subf %neg3A_102, %select_n3A : vector<1024x64xf32>
    %select_n3A_104 = arith.select %ge3A_94, %neg3A_103, %select_n3A : vector<1024x64xi1>, vector<1024x64xf32>
    %neg3A_105 = arith.constant 0.000000e+00 : f32
    %neg3A_106 = vector.broadcast %neg3A_105 : f32 to vector<1024x64xf32>
    %neg3A_107 = arith.subf %neg3A_106, %select_n3A_89 : vector<1024x64xf32>
    %select_n3A_108 = arith.select %or3A, %neg3A_107, %select_n3A_89 : vector<1024x64xi1>, vector<1024x64xf32>
    %swap3A = arith.constant 0 : index
    %swap3A_109 = arith.constant 0 : index
    %swap3A_110 = vector.load %arg7[%swap3A, %swap3A_109] : memref<1024x321xf32, #tpu.memory_space<vmem>>, vector<1024x1xf32>
    tpu.vector_store %arg7[%swap3A, %swap3A_109], %get3A_3 {strides = array<i32>} : memref<1024x321xf32, #tpu.memory_space<vmem>>, vector<1024x1xf32>,
    %swap3A_111 = arith.constant 0 : index
    %swap3A_112 = arith.constant 1 : index
    %swap3A_113 = vector.load %arg7[%swap3A_111, %swap3A_112] : memref<1024x321xf32, #tpu.memory_space<vmem>>, vector<1024x64xf32>
    tpu.vector_store %arg7[%swap3A_111, %swap3A_112], %select_n3A_104 {strides = array<i32>} : memref<1024x321xf32, #tpu.memory_space<vmem>>, vector<1024x64xf32>,
    %swap3A_114 = arith.constant 0 : index
    %swap3A_115 = arith.constant 65 : index
    %swap3A_116 = vector.load %arg7[%swap3A_114, %swap3A_115] : memref<1024x321xf32, #tpu.memory_space<vmem>>, vector<1024x64xf32>
    tpu.vector_store %arg7[%swap3A_114, %swap3A_115], %select_n3A_108 {strides = array<i32>} : memref<1024x321xf32, #tpu.memory_space<vmem>>, vector<1024x64xf32>,
    %swap3A_117 = arith.constant 0 : index
    %swap3A_118 = arith.constant 129 : index
    %swap3A_119 = vector.load %arg7[%swap3A_117, %swap3A_118] : memref<1024x321xf32, #tpu.memory_space<vmem>>, vector<1024x128xf32>
    tpu.vector_store %arg7[%swap3A_117, %swap3A_118], %dot_general3A_34 {strides = array<i32>} : memref<1024x321xf32, #tpu.memory_space<vmem>>, vector<1024x128xf32>,
    %swap3A_120 = arith.constant 0 : index
    %swap3A_121 = arith.constant 257 : index
    %swap3A_122 = vector.load %arg7[%swap3A_120, %swap3A_121] : memref<1024x321xf32, #tpu.memory_space<vmem>>, vector<1024x64xf32>
    tpu.vector_store %arg7[%swap3A_120, %swap3A_121], %dot_general3A_45 {strides = array<i32>} : memref<1024x321xf32, #tpu.memory_space<vmem>>, vector<1024x64xf32>,
    return
  }
  func.func @transform_0(%arg0: i32) -> (i32, i32, i32) {
    %c0_i32 = arith.constant 0 : i32
    %c0_i32_0 = arith.constant 0 : i32
    %c0_i32_1 = arith.constant 0 : i32
    return %arg0, %c0_i32, %c0_i32_0 : i32, i32, i32
  }
  func.func @transform_1(%arg0: i32) -> (i32, i32, i32) {
    %c0_i32 = arith.constant 0 : i32
    %c0_i32_0 = arith.constant 0 : i32
    %c0_i32_1 = arith.constant 0 : i32
    return %arg0, %c0_i32, %c0_i32_0 : i32, i32, i32
  }
  func.func @transform_2(%arg0: i32) -> (i32, i32, i32) {
    %c0_i32 = arith.constant 0 : i32
    %c0_i32_0 = arith.constant 0 : i32
    %c0_i32_1 = arith.constant 0 : i32
    return %arg0, %c0_i32, %c0_i32_0 : i32, i32, i32
  }
  func.func @transform_3(%arg0: i32) -> (i32, i32, i32) {
    %c0_i32 = arith.constant 0 : i32
    %c0_i32_0 = arith.constant 0 : i32
    %c0_i32_1 = arith.constant 0 : i32
    return %arg0, %c0_i32, %c0_i32_0 : i32, i32, i32
  }
  func.func @transform_4(%arg0: i32) -> (i32, i32) {
    %c0_i32 = arith.constant 0 : i32
    %c0_i32_0 = arith.constant 0 : i32
    %c0_i32_1 = arith.constant 0 : i32
    return %c0_i32, %c0_i32_0 : i32, i32
  }
  func.func @transform_5(%arg0: i32) -> (i32, i32) {
    %c0_i32 = arith.constant 0 : i32
    %c0_i32_0 = arith.constant 0 : i32
    %c0_i32_1 = arith.constant 0 : i32
    return %c0_i32, %c0_i32_0 : i32, i32
  }
  func.func @transform_6(%arg0: i32) -> (i32, i32) {
    %c0_i32 = arith.constant 0 : i32
    %c0_i32_0 = arith.constant 0 : i32
    return %arg0, %c0_i32 : i32, i32
  }
}

</mosaic_0001>

<sc_bundles>
// kernel: sparse-core-data-format-call.cloned.1.call-start
scs
called_computation_lowered:
.L_overlay_start_0:
0x0: {  	s2 =	sld [smem:$0x3FD9]  }
0x1: {  	s3 =	sld [smem:$0x3FFE];
	_ =	sdelay $0x1  }
0x2: {  	s1 =	srdreg.scid  }
0x3: {  	s0 =	sand.u32 $0x1, s1  }
0x4: {  	s18 =	sshll.u32 s0, $0xA;
	s2 =	sadd.s32 s3, s2  }
0x5: {  	s2 =	sadd.s32 s2, s18  }
0x6: {  	[smem:$0x3FC2] =	sst s2  }
0x7: {  	_ = 	snop  }
0x8: {  	s2 =	sld [smem:$0x3FD0];
	(tm) =	ssettm $0x1  }
0x9: {  	s19 =	sld [smem:$0x3FFB];
	_ =	sdelay $0x3  }
0xa: {  	_ =	strace s19  }
0xb: {  	s3 =	sld [smem:$0x3FFC];
	_ =	sdelay $0x3  }
0xc: {  	_ =	strace s3  }
0xd: {  	s3 =	sld [smem:$0x3FFD];
	_ =	sdelay $0x3  }
0xe: {  	_ =	strace s3  }
0xf: {  	_ =	strace $0x8FFFFFFF  }
0x10: {  	s20 =	sld [smem:$0x3FDB];
	_ =	sdelay $0x1  }
0x11: {  	s4 =	simm.s32 $_scs_section_size  }
0x12: {  	s5 =	simm.s32 $_size__tile_overlayer_lowered;
	s6 =	simm.s32 $_tile_overlayer_lowered  }
0x13: {  	s23 =	simm.s32 $0x1BFF;
	s22 =	sshll.u32 s6, $0x1;
	s3 =	sadd.s32 s4, s20  }
0x14: {  	s7 =	simm.s32 $0x0;
	s21 =	sshll.u32 s5, $0x1;
	s5 =	sadd.s32 s22, s3  }
0x15: {  	[timem:s7], [sflag:s23] =	dma.local [hbm:s5], s21  }
0x16: {  	_ =	swait.ge [sflag:s23], s21  }
0x17: {  	s4 =	ssub.s32 $0x0, s21;
	[sflag:s23] =	ssyncset.done $0x0  }
0x18: {  	[sflag:s23] =	ssyncadd.s32 s4;
	_ =	sdelay $0x1  }
0x19: {  	s24 =	simm.s32 $0x1B8B  }
0x1a: {  	_ =	swait.ge [sflag:s24], $0x1  }
0x1b: {  	[sflag:s24] =	ssyncset.done $0x0  }
0x1c: {  	s26 =	simm.s32 $0x1B8E;
	s25 =	sld [smem:$0x3FFE];
	[sflag:s24] =	ssyncadd.s32 $0xFFFFFFFF  }
0x1d: {  	s27 =	simm.s32 $execute0_lowered;
	[smem:$0x3FD2] =	sst s26  }
0x1e: {  	s5 =	sshll.u32 s27, $0x1;
	_ =	strace $0x80000046;
	[dreg:$0x1] =	wrdreg $0xFFFFFFFF  }
0x1f: {  	s28 =	simm.s32 $_size_execute0_lowered;
	s3 =	sadd.s32 s3, s5;
	[dreg:$0x0] =	wrdreg $0x0  }
0x20: {  	s5 =	sshll.u32 s28, $0x1;
	[dreg:$0x2] =	wrdreg s3  }
0x21: {  	[dreg:$0x3] =	wrdreg s5  }
0x22: {  	[dreg:$0x4] =	wrdreg $0xC0  }
0x23: {  	_ =	task [dreg:s7], $0x5FFFF  }
0x24: {  	[dreg:$0x1] =	wrdreg $0xFFFFFFFF  }
0x25: {  	[dreg:$0x0] =	wrdreg $0x60  }
0x26: {  	[dreg:$0x2] =	wrdreg s25  }
0x27: {  	[dreg:$0x3] =	wrdreg s2  }
0x28: {  	[dreg:$0x4] =	wrdreg $0x9  }
0x29: {  	_ =	task.clear_ibuf [dreg:s7], $0x5FFFF;
	_ =	strace $0x90000046  }
0x2a: {  	s29 =	simm.s32 $0x9;
	_ =	strace $0x80000048  }
0x2b: {  	_ =	swait.ge [sflag:s29], $0x1  }
0x2c: {  	[sflag:s29] =	ssyncadd.s32 $0xFFFFFFFF  }
0x2d: {  	_ =	strace $0x90000048  }
0x2e: {  	_ =	sfence  }
0x2f: {  	s30 =	sld [smem:$0x0];
	_ =	sdelay $0x2  }
0x30: {  	s31 =	sshll.u32 s1, $0xD;
	s1 =	sshrl.u32 s1, $0x2  }
0x31: {  	s3 =	sand.u32 $0x4000, s31;
	s1 =	sadd.s32 s1, s30  }
0x32: {  	s0 =	sor.u32 s3, s0;
	s1 =	sshll.u32 s1, $0x11  }
0x33: {  	s0 =	sor.u32 s1, s0  }
0x34: {  	s0 =	sadd.s32 $0x8F2B, s0  }
0x35: {  	[sflag:s0] =	ssyncadd.remote.s32 $0x1  }
0x36: {  	_ =	sfence.sel $0xFFFF  }
0x37: {  	[dreg:$0x0] =	wrdreg $0xFFFFFFFF;
	(pc) =	sbr.abs _section_cstart, $3  }
0x38: {  	[dreg:$0x1] =	wrdreg $0xFFFFFFFF  }
0x39: {  	_ =	task.clear_ibuf [dreg:s7], $0x2FFFF;
	_ =	strace $0x9FFFFFFF  }
0x3a: {  	(tm) =	ssettm $0x7FFFFFFF  }
0x3b: {  	_ =	shalt  }
tec
execute0_lowered:
.L_overlay_start_1:
0x0: {  	(tag) =	ssettag $0x1  }
0x1: {  	s0 =	srdreg.scid;
	s6 =	rddreg [dreg:$0x0]  }
0x2: {  	s3 =	rddreg [dreg:$0x1];
	s1 =	sshll.u32 s0, $0x4  }
0x3: {  	s5 =	simm.s32 $0x1;
	s0 =	stileid.u32;
	s1 =	sand.u32 $0x10, s1  }
0x4: {  	s31 =	simm.s32 $0x2;
	s18 =	simm.s32 $0x0;
	s1 =	sor.u32 s0, s1  }
0x5: {  	s8 =	simm.s32 $0xC8000;
	s17 =	simm.s32 $0x0;
	s2 =	sshll.u32 s1, $0x7  }
0x6: {  	s16 =	simm.s32 $0x0;
	s9 =	simm.s32 $0x0;
	s4 =	ssub.s32 $0x1000, s2  }
0x7: {  	s10 =	simm.s32 $0x0;
	s11 =	simm.s32 $0x0;
	s30 =	sand.u32 $0xF80, s4  }
0x8: {  	s12 =	simm.s32 $0x0;
	s13 =	simm.s32 $0x0;
	p0 =	sne.s32 s30, $0x0  }
.Ltmp0:
0x9: {  	s7 =	sshrl.u32 s4, $0xC;
	s5 =	simm.s32 @!p0 $0x0;
	(pc) =	sbr.rel .LBB1_1-.Ltmp0, $4  }
0xa: {  	s15 =	simm.s32 $0x0;
	s1 =	rddreg [dreg:$0x2];
	s5 =	sadd.s32 s5, s7  }
0xb: {  	_ =	strace $0x80000047;
	s4 =	simm.s32 $0x1;
	s5 =	smul.u32 $0x258, s5  }
0xc: {  	s6 =	sadd.s32 $0x25A1A00, s6;
	s14 =	smov.u32 s2;
	[sflag:s4] =	ssyncpa.u1 $0x0  }
0xd: {  	[sflag:s31] =	ssyncpa.u1 $0x0;
	p0 =	por $0x0, $0x0;
	s7 =	sor.u32 $0x1, s5  }
.LBB1_4:
0xe: {  	s23 =	sshra.s32 s23, $0x2;
	s24 =	sshll.u32 s10, $0xC  }
0xf: {  	p1 =	sgt.s32 s10, $0xC7;
	s26 =	smov.u32 s10;
	s27 =	sshra.s32 s10, $0x1F  }
0x10: {  	s28 =	smov.u32 s9;
	s29 =	sshra.s32 s11, $0x1F;
	s22 =	sadd.s32 s23, s22  }
0x11: {  	s30 =	sand.u32 $0xFFFF8000, s24;
	s24 =	sshll.u32 s11, $0x3;
	s26 =	simm.s32 @!p1 $0xC7  }
0x12: {  	p1 =	sgt.s32 s9, $0xC1;
	s27 =	sand.u32 s27, s10;
	s31 =	sand.u32 s29, s11  }
0x13: {  	s29 =	sshll.u32 s10, $0x7;
	s25 =	sand.u32 $0xFFFFFC00, s24;
	s28 =	simm.s32 @!p1 $0xC1  }
0x14: {  	p1 =	sgt.s32 s11, $0xF80;
	s23 =	sadd.s32 s25, s30;
	s25 =	ssub.s32 s26, s27  }
0x15: {  	[tilespmem:s21+$0x2040 ss:$0x81] =	vst.msk $0xffff, v4;
	s27 =	smov.u32 s11;
	s30 =	sshra.s32 s9, $0x1F;
	s26 =	sadd.s32 $0xFFFFFF39, s25  }
0x16: {  	v5 =	vld [tilespmem:s20+$0xFFFFFFD0];
	[tilespmem:s21+$0x2850 ss:$0x81] =	vst.msk $0xffff, v3;
	s27 =	simm.s32 @!p1 $0xF80;
	s23 =	sshrl.u32 s23, $0xC;
	s25 =	ssub.s32 $0xC8, s25  }
0x17: {  	v58 =	vld [tilespmem:s20+$0xFFFFFFE0];
	[tilespmem:s21+$0x3060 ss:$0x81] =	vst.msk $0xffff, v2;
	p1 =	sgt.s32 s26, $0x0;
	s26 =	ssub.s32 s27, s31;
	s27 =	sand.u32 s30, s9  }
0x18: {  	v59 =	vld [tilespmem:s20+$0xFFFFFFF0];
	[tilespmem:s21+$0x0 ss:$0x81] =	vst.msk $0xffff, v1;
	s21 =	smulhi.u32 $0x147AE15, s23;
	s30 =	sand.u32 $0x78, s11;
	s27 =	ssub.s32 s28, s27  }
0x19: {  	v60 =	vld [tilespmem:s20+$0x0];
	s25 =	simm.s32 @p1 $0x0;
	s31 =	sadd.s32 $0xFFFFF080, s26;
	s26 =	ssub.s32 $0x1000, s26  }
0x1a: {  	v61 =	vld [tilespmem:s20+$0x10];
	[tilespmem:s22+$0x3870 ss:$0x81] =	vst.msk $0xffff, v0;
	p1 =	sgt.s32 s31, $0x7F;
	s28 =	sadd.s32 $0xFFFFFF3F, s27;
	s31 =	sand.u32 $0x380, s29  }
0x1b: {  	v62 =	vld [tilespmem:s20+$0x20];
	[tilespmem:s22+$0x810 ss:$0x81] =	vst.msk $0xffff, v5;
	s29 =	sand.u32 $0xC00, s24;
	s21 =	smul.u32 $0xC8, s21;
	s24 =	ssub.s32 $0x141, s27  }
0x1c: {  	v63 =	vld [tilespmem:s20+$0xFFFFFFC0];
	[tilespmem:s22+$0x1020 ss:$0x81] =	vst.msk $0xffff, v58;
	s26 =	simm.s32 @p1 $0x0;
	s20 =	sor.u32 s30, s29;
	s30 =	smul.u32 $0x19000, s9  }
0x1d: {  	[tilespmem:s22+$0x1830 ss:$0x81] =	vst.msk $0xffff, v59;
	p1 =	sgt.s32 s28, $0x7F;
	s28 =	sand.u32 $0x7, s11;
	s25 =	smul.u32 s26, s25  }
0x1e: {  	[tilespmem:s22+$0x2040 ss:$0x81] =	vst.msk $0xffff, v60;
	s24 =	simm.s32 @p1 $0x0;
	s20 =	sor.u32 s31, s20;
	s21 =	ssub.s32 s23, s21  }
0x1f: {  	[tilespmem:s22+$0x2850 ss:$0x81] =	vst.msk $0xffff, v61;
	s20 =	sshrl.u32 s20, $0x3;
	s27 =	sadd.s32 s3, s30;
	s31 =	smul.u32 s24, s25  }
0x20: {  	[tilespmem:s22+$0x3060 ss:$0x81] =	vst.msk $0xffff, v62;
	s29 =	sshll.u32 s28, $0x12;
	s21 =	sshll.u32 s21, $0x9;
	s20 =	sadd.s32 s20, s27  }
0x21: {  	[tilespmem:s22+$0x0 ss:$0x81] =	vst.msk $0xffff, v63;
	s20 =	sadd.s32 s21, s20;
	s30 =	sand.u32 $0x3FFFFFFF, s31;
	s31 =	sor.u32 $0x80, s29  }
0x22: {  	[hbm4b:s20+s31] =	stream.strided.scatter [tilespmem:s19], [sflag:$0x2], s30, s8, s31, $0x20;
	[tilespmem:$0x10100] =	vst v63  }
.LBB1_5:
0x23: {  	p1 =	slt.u32 s15, $0x2  }
0x24: {  	p2 =	sgt.s32 @!p1 s18, $0xC1  }
0x25: {  	s19 =	smov.u32 s18;
	s20 =	sshra.s32 @!p1 s18, $0x1F;
	p2 =	por !p2, p1  }
0x26: {  	s18 =	sand.u32 @!p1 s20, s18;
	s19 =	simm.s32 @p2 $0xC1  }
0x27: {  	s20 =	sshra.s32 @!p1 s17, $0x1F;
	p2 =	sgt.s32 @!p1 s17, $0xC7;
	s18 =	ssub.s32 @!p1 s19, s18  }
0x28: {  	p2 =	por !p2, p1;
	s19 =	smov.u32 s17;
	s17 =	sand.u32 @!p1 s20, s17  }
0x29: {  	s20 =	sshra.s32 @!p1 s16, $0x1F;
	s19 =	simm.s32 @p2 $0xC7;
	p2 =	sgt.s32 @!p1 s16, $0xF80  }
0x2a: {  	s17 =	ssub.s32 @!p1 s19, s17;
	p2 =	por !p2, p1;
	s19 =	smov.u32 s16  }
0x2b: {  	s16 =	sand.u32 @!p1 s20, s16;
	s20 =	sadd.s32 @!p1 $0xFFFFFF39, s17;
	s19 =	simm.s32 @p2 $0xF80  }
0x2c: {  	p2 =	sgt.s32 @!p1 s20, $0x0;
	s16 =	ssub.s32 @!p1 s19, s16  }
0x2d: {  	s17 =	ssub.s32 @!p1 $0xC8, s17;
	p2 =	por !p2, p1;
	s19 =	sadd.s32 @!p1 $0xFFFFF080, s16  }
0x2e: {  	s17 =	simm.s32 @!p2 $0x0;
	p2 =	sgt.s32 @!p1 s19, $0x7F  }
0x2f: {  	s21 =	smov.u32 s14;
	s16 =	ssub.s32 @!p1 $0x1000, s16;
	p2 =	por !p2, p1  }
0x30: {  	s20 =	sadd.s32 @!p1 $0xFFFFFF3F, s18;
	s19 =	sadd.s32 $0x80, s12;
	s16 =	simm.s32 @!p2 $0x0  }
0x31: {  	p2 =	sgt.s32 s19, $0x140;
	s16 =	smul.u32 @!p1 s16, s17;
	s17 =	simm.s32 $0x1  }
0x32: {  	p0 =	por !p0, !p0;
	p3 =	sgt.s32 @!p1 s20, $0x7F;
	s17 =	simm.s32 @!p2 $0x0  }
0x33: {  	s18 =	ssub.s32 @!p1 $0x141, s18;
	p3 =	por !p3, p1;
	s20 =	sadd.s32 s17, s13  }
0x34: {  	s18 =	simm.s32 @!p3 $0x0;
	s17 =	sadd.s32 $0x1000, s14;
	p3 =	sgt.s32 s20, $0xC7  }
0x35: {  	s22 =	simm.s32 @!p1 $0x2;
	s19 =	simm.s32 @p2 $0x0;
	s21 =	smov.u32 @p3 s17  }
0x36: {  	s16 =	smul.u32 @!p1 s18, s16;
	s18 =	smov.u32 s9;
	p2 =	sgt.s32 s21, $0xFFF  }
0x37: {  	s9 =	smov.u32 s12;
	s21 =	smov.u32 @p2 s2;
	p2 =	sne.s32 s15, s7  }
.Ltmp1:
0x38: {  	s12 =	smov.u32 s19;
	s16 =	sand.u32 @!p1 $0x3FFFFFFF, s16;
	(pc) =	sbr.rel @!p2 .LBB1_6-.Ltmp1, $4  }
0x39: {  	s20 =	simm.s32 @p3 $0x0;
	s17 =	smov.u32 s10;
	s10 =	smov.u32 s13  }
0x3a: {  	_ =	swait.ge @!p1 [sflag:s22], s16;
	s23 =	ssub.s32 @!p1 $0x0, s16;
	s16 =	smov.u32 s11  }
0x3b: {  	s11 =	smov.u32 s14;
	s13 =	smov.u32 s20;
	[sflag:s22] =	ssyncset.done @!p1 $0x0  }
0x3c: {  	s15 =	sadd.s32 $0x1, s15;
	[sflag:s22] =	ssyncadd.s32 @!p1 s23;
	s14 =	smov.u32 s21  }
.LBB1_1:
0x3d: {  	p1 =	sge.u32 s15, s5  }
0x3e: {  	s19 =	sshrl.u32 @!p1 s13, $0x3  }
0x3f: {  	s20 =	sshll.u32 @!p1 s12, $0x3;
	s19 =	smul.u32 @!p1 $0xC00, s19  }
0x40: {  	s21 =	sshll.u32 @!p1 s13, $0x7;
	s20 =	sand.u32 @!p1 $0xFFFFFC00, s20  }
0x41: {  	s19 =	sadd.s32 @!p1 s19, s20;
	s20 =	sand.u32 @!p1 $0x380, s21  }
0x42: {  	s19 =	sor.u32 @!p1 s20, s19  }
0x43: {  	s20 =	sand.u32 @!p1 $0x7F, s12;
	s21 =	smulhi.u32 @!p1 $0xAAAAAAAB, s19  }
0x44: {  	s19 =	sor.u32 @!p1 s20, s19  }
0x45: {  	s20 =	smulhi.u32 @!p1 $0xAAAAAAAB, s19;
	s21 =	sshrl.u32 @!p1 s21, $0x8  }
0x46: {  	s22 =	smulhi.u32 @!p1 $0x147AE15, s21;
	_ =	sdelay $0x1  }
0x47: {  	s20 =	sshrl.u32 @!p1 s20, $0x8;
	s22 =	smul.u32 @!p1 $0xC8, s22  }
0x48: {  	s31 =	sadd.s32 $0xFFFFFFFF, s15;
	s20 =	smul.u32 @!p1 $0x180, s20  }
0x49: {  	s23 =	sxor.u32 @!p1 $0xFFFFFFFF, s15;
	s21 =	ssub.s32 @!p1 s21, s22;
	s22 =	smul.u32 @!p1 $0x2580, s14  }
0x4a: {  	s23 =	sshll.u32 @!p1 s23, $0xE;
	s19 =	ssub.s32 @!p1 s19, s20;
	s20 =	smul.u32 @!p1 $0x30, s21  }
0x4b: {  	s21 =	sand.u32 @!p1 $0x4000, s23;
	s23 =	sand.u32 @!p1 $0x7, s19;
	s22 =	sadd.s32 @!p1 s6, s22  }
0x4c: {  	s19 =	sshrl.u32 @!p1 s19, $0x3;
	s20 =	sadd.s32 @!p1 s20, s22;
	s22 =	sshll.u32 @!p1 s23, $0x12  }
0x4d: {  	s19 =	sadd.s32 @!p1 s19, s20;
	s20 =	sor.u32 @!p1 $0x80, s22;
	s22 =	simm.s32 @!p1 $0x12C00  }
0x4e: {  	[tilespmem:s21], [sflag:$0x1] =	stream.strided.gather @!p1 [hbm4b:s19+s20], $0x4000, s22, s20, $0x38;
	[tilespmem:$0x10100] =	vst v63  }
0x4f: {  	p1 =	sge.u32 s31, s5  }
.Ltmp2:
0x50: {  	_ = 	snop;
	(pc) =	sbr.rel @p1 .LBB1_5-.Ltmp2, $1  }
0x51: {  	_ =	sdelay $0x3  }
0x52: {  	s19 =	simm.s32 $0x1  }
0x53: {  	_ =	swait.ge [sflag:s4], $0x4000;
	s19 =	simm.s32 @!p0 $0x0  }
0x54: {  	[sflag:s4] =	ssyncset.done $0x0;
	s20 =	sshll.u32 s19, $0xE  }
0x55: {  	[sflag:s4] =	ssyncadd.s32 $0xFFFFC000;
	s20 =	sor.u32 $0x40, s20  }
0x56: {  	s19 =	smul.u32 $0x10200, s19;
	v0 =	vld [tilespmem:s20+$0x30]  }
0x57: {  	v1 =	vld [tilespmem:s20+$0xFFFFFFD0]  }
0x58: {  	s19 =	sshrl.u32 s19, $0x2;
	v5 =	vld [tilespmem:s20+$0xFFFFFFE0]  }
0x59: {  	v6 =	vld [tilespmem:s20+$0xFFFFFFF0];
	s22 =	sor.u32 $0x8000, s19  }
0x5a: {  	s31 =	sand.u32 $0x1, s15;
	v4 =	vld [tilespmem:s20+$0x0];
	s21 =	sadd.s32 $0x0, s22  }
0x5b: {  	v3 =	vld [tilespmem:s20+$0x10];
	s19 =	smul.u32 $0x10200, s31;
	[tilespmem:s21+$0x3870 ss:$0x81] =	vst.msk $0xffff, v0  }
0x5c: {  	v2 =	vld [tilespmem:s20+$0x20];
	[tilespmem:s21+$0x810 ss:$0x81] =	vst.msk $0xffff, v1  }
0x5d: {  	s19 =	sshrl.u32 s19, $0x2;
	v1 =	vld [tilespmem:s20+$0xFFFFFFC0];
	[tilespmem:s21+$0x1020 ss:$0x81] =	vst.msk $0xffff, v5;
	s20 =	sadd.s32 $0x80, s20  }
0x5e: {  	s23 =	simm.s32 $0x4;
	s24 =	simm.s32 $0x8;
	s19 =	sor.u32 $0x8000, s19;
	[tilespmem:s21+$0x1830 ss:$0x81] =	vst.msk $0xffff, v6;
	v0 =	vld [tilespmem:s20+$0x30]  }
.LBB1_3:
0x5f: {  	p1 =	sne.s32 s24, $0x1FC;
	v5 =	vld [tilespmem:s20+$0xFFFFFFD0];
	[tilespmem:s21+$0x2040 ss:$0x81] =	vst.msk $0xffff, v4  }
0x60: {  	v6 =	vld [tilespmem:s20+$0xFFFFFFE0];
	[tilespmem:s21+$0x2850 ss:$0x81] =	vst.msk $0xffff, v3  }
0x61: {  	s25 =	sshra.s32 s23, $0x2;
	s23 =	smov.u32 s24;
	v7 =	vld [tilespmem:s20+$0xFFFFFFF0];
	[tilespmem:s21+$0x3060 ss:$0x81] =	vst.msk $0xffff, v2  }
.Ltmp3:
0x62: {  	v4 =	vld [tilespmem:s20+$0x0];
	[tilespmem:s21+$0x0 ss:$0x81] =	vst.msk $0xffff, v1;
	s21 =	sadd.s32 s25, s22;
	(pc) =	sbr.rel @p1 .LBB1_3-.Ltmp3, $4  }
0x63: {  	v3 =	vld [tilespmem:s20+$0x10];
	[tilespmem:s21+$0x3870 ss:$0x81] =	vst.msk $0xffff, v0  }
0x64: {  	[tilespmem:s21+$0x810 ss:$0x81] =	vst.msk $0xffff, v5;
	v2 =	vld [tilespmem:s20+$0x20]  }
0x65: {  	v1 =	vld [tilespmem:s20+$0xFFFFFFC0];
	[tilespmem:s21+$0x1020 ss:$0x81] =	vst.msk $0xffff, v6;
	s20 =	sadd.s32 $0x80, s20  }
0x66: {  	s24 =	sadd.s32 $0x4, s24;
	v0 =	vld [tilespmem:s20+$0x30];
	[tilespmem:s21+$0x1830 ss:$0x81] =	vst.msk $0xffff, v7  }
.Ltmp4:
0x67: {  	_ = 	snop;
	(pc) =	sbr.rel .LBB1_4-.Ltmp4, $1  }
0x68: {  	_ =	sdelay $0x3  }
.LBB1_6:
0x69: {  	_ =	sfence.sel $0x180000  }
0x6a: {  	s2 =	simm.s32 $0x1;
	[bflag:$0x0] =	sbarrier.arrive $0xFFFF  }
0x6b: {  	s31 =	simm.s32 $0x2;
	[sflag:s2] =	ssyncpa.u1 $0x1  }
0x6c: {  	[sflag:s31] =	ssyncpa.u1 $0x1  }
0x6d: {  	p0 =	sne.s32 s0, $0x0;
	_ =	strace $0x90000047  }
0x6e: {  	s0 =	sadd.s32 @!p0 $0x100000, s1;
	[bflag:$0x2] =	sbarrier.arrive $0xFFFF  }
0x6f: {  	[sflag:s0] =	ssyncadd.tile.s32 @!p0 $0x1;
	_ =	shalt  }
.Lfunc_end1:
_tile_overlayer_lowered:
.L_overlay_start_2:
0x70: {  	(tag) =	ssettag $0x2  }
0x71: {  	s0 =	rddreg [dreg:$0x0];
	s2 =	stileid.u32  }
0x72: {  	s1 =	rddreg [dreg:$0x1];
	p0 =	sne.s32 s2, $0x0  }
0x73: {  	s3 =	rddreg [dreg:$0x2];
	[bflag:$0x3] =	sbarrier.arrive $0xFFFF;
	s2 =	simm.s32 @!p0 $0x1C01  }
0x74: {  	[timem:s3], [sflag:s2] =	dma.local @!p0 [hbm:s0], s1  }
0x75: {  	s0 =	simm.s32 @!p0 $0x1  }
0x76: {  	_ =	swait.ge @!p0 [sflag:s0], s1  }
0x77: {  	s1 =	ssub.s32 @!p0 $0x0, s1;
	[sflag:s0] =	ssyncset.done @!p0 $0x0  }
0x78: {  	[sflag:s0] =	ssyncadd.s32 @!p0 s1  }
0x79: {  	[bflag:$0x3] =	sbarrier.arrive $0xFFFF  }
0x7a: {  	_ =	shalt  }

</sc_bundles>
